<compile_context>
chip_gen: v7x
topology: tpu7x:2x2x1
jax: 0.10.2.dev20260603
libtpu: 0.0.44.dev20260713+nightly
codegen_flags: <defaults>
</compile_context>

<pallas_src>
import functools
import math

import jax
import jax.numpy as jnp
import numpy as np
from jax import lax
from jax.experimental import pallas as pl
from jax.experimental.pallas import tpu as pltpu
from jax.experimental.pallas import tpu_sc as plsc

_SIZE = 32000
_PAD = 0
_SMOOTH = 0.1
_CONF = 1.0 - _SMOOTH
_EPS = float(np.float32(_SMOOTH / (_SIZE - 2)))
_C_ROW = _CONF * math.log(_CONF) + (_SIZE - 2) * _EPS * math.log(_EPS)

_N_ROWS = 4096
_BM = 1024
_BN = 3200
_BQ = _BM // 128

_NC = 2
_NS = 16
_NT = _NC * _NS
_RPT = _N_ROWS // _NT
_LANES = 16
_CHUNKS = _RPT // _LANES


def _tc_body(tgt_ref, x_ref, rs_ref, g_ref):
    j = pl.program_id(1)
    xb = x_ref[...].reshape(_BQ, 128, _BN)
    t = tgt_ref[...].reshape(_BQ, 128, 1)
    cols = j * _BN + lax.broadcasted_iota(jnp.int32, (_BQ, 128, _BN), 2)
    g_blk = jnp.sum(jnp.where(cols == t, xb, 0.0), axis=2)
    rs_blk = jnp.sum(xb, axis=2)

    @pl.when(j == 0)
    def _first():
        rs_ref[...] = rs_blk - xb[:, :, 0]
        g_ref[...] = g_blk

    @pl.when(j != 0)
    def _rest():
        rs_ref[...] += rs_blk
        g_ref[...] += g_blk


def _tc_pass(x, tgt32):
    grid = (_N_ROWS // _BM, _SIZE // _BN)
    return pl.pallas_call(
        _tc_body,
        grid=grid,
        in_specs=[
            pl.BlockSpec((_BQ, 128), lambda i, j: (i, 0)),
            pl.BlockSpec((_BM, _BN), lambda i, j: (i, j)),
        ],
        out_specs=[
            pl.BlockSpec((_BQ, 128), lambda i, j: (i, 0)),
            pl.BlockSpec((_BQ, 128), lambda i, j: (i, 0)),
        ],
        out_shape=[
            jax.ShapeDtypeStruct((_NT, 128), jnp.float32),
            jax.ShapeDtypeStruct((_NT, 128), jnp.float32),
        ],
        compiler_params=pltpu.CompilerParams(
            dimension_semantics=("parallel", "arbitrary"),
        ),
    )(tgt32, x)


@functools.cache
def _sc_combine_kernel():
    mesh = plsc.VectorSubcoreMesh(
        core_axis_name="c", subcore_axis_name="s",
        num_cores=_NC, num_subcores=_NS,
    )

    @functools.partial(
        pl.kernel,
        out_type=jax.ShapeDtypeStruct((_NT, _LANES), jnp.float32),
        mesh=mesh,
        scratch_types=[
            pltpu.VMEM((_RPT,), jnp.int32),
            pltpu.VMEM((_RPT,), jnp.float32),
            pltpu.VMEM((_RPT,), jnp.float32),
            pltpu.VMEM((_LANES,), jnp.float32),
        ],
    )
    def _sc_combine(tgt_hbm, rs_hbm, g_hbm, out_hbm, tgt_v, rs_v, g_v, acc_v):
        wid = lax.axis_index("s") * _NC + lax.axis_index("c")
        pltpu.sync_copy(tgt_hbm.at[wid], tgt_v)
        pltpu.sync_copy(rs_hbm.at[wid], rs_v)
        pltpu.sync_copy(g_hbm.at[wid], g_v)
        acc = jnp.zeros((_LANES,), jnp.float32)
        zero = jnp.zeros((_LANES,), jnp.float32)
        for k in range(_CHUNKS):
            sl = pl.ds(k * _LANES, _LANES)
            m = tgt_v[sl] != _PAD
            row = (_C_ROW
                   - (_CONF - _EPS) * g_v[sl]
                   - _EPS * rs_v[sl])
            acc = acc + jnp.where(m, row, zero)
        acc_v[...] = acc
        pltpu.sync_copy(acc_v, out_hbm.at[wid])

    return _sc_combine


def kernel(x, target):
    tgt32 = target.astype(jnp.int32).reshape(_NT, 128)
    rs, g = _tc_pass(x, tgt32)
    partials = _sc_combine_kernel()(tgt32, rs, g)
    return jnp.sum(partials)

# --- scband reference (transcript-rebuilt; emitter-appended) ---
"""Pipeline reference for scband-label-smoothing-9818295239016 (READ-ONLY COPY).

The authoritative reference and input builder live on the scoring server;
editing this copy changes nothing except your own understanding.
"""

import jax, jax.numpy as jnp
import numpy as np
from jax.scipy.special import xlogy

SIZE = 32000
PADDING_IDX = 0
SMOOTHING = 0.1
CONFIDENCE = 1.0 - SMOOTHING


def setup_inputs(seed: int = 0) -> dict:
    key = jax.random.key(seed)
    k1, k2 = jax.random.split(key)
    x = jax.random.normal(k1, (4096, SIZE), dtype=jnp.float32)
    target = jax.random.randint(k2, (4096,), 0, SIZE, dtype=jnp.int64 if jax.config.jax_enable_x64 else jnp.int32)
    return {"x": x, "target": target}


def reference(x, target):
    assert x.shape[1] == SIZE
    n = x.shape[0]
    # true_dist filled with smoothing / (size - 2)
    true_dist = jnp.full(x.shape, SMOOTHING / (SIZE - 2), dtype=x.dtype)
    # scatter confidence at target columns (scatter-overwrite)
    true_dist = true_dist.at[jnp.arange(n), target].set(CONFIDENCE)
    # zero the padding column
    true_dist = true_dist.at[:, PADDING_IDX].set(0.0)
    # zero rows where target == padding_idx (index_fill_ on mask rows)
    pad_mask = (target == PADDING_IDX)
    true_dist = jnp.where(pad_mask[:, None], jnp.asarray(0.0, dtype=x.dtype), true_dist)
    # KLDivLoss(reduction='sum'): sum over t * (log t - x), with 0*log(0) = 0
    loss = jnp.sum(xlogy(true_dist, true_dist) - true_dist * x)
    return loss

if __name__ == "__main__":
    import jax
    _d = setup_inputs()
    print(jax.jit(kernel)(*tuple(_d.values())))

</pallas_src>

<mosaic_0001>
#map = affine_map<(d0, d1) -> (0, 0)>
module attributes {stable_mosaic.version = 14 : i64} {
  func.func @_sc_combine(%arg0: i32, %arg1: i32, %arg2: memref<32x128xi32, #tpu.memory_space<hbm>>, %arg3: memref<32x128xf32, #tpu.memory_space<hbm>>, %arg4: memref<32x128xf32, #tpu.memory_space<hbm>>, %arg5: memref<32x16xf32, #tpu.memory_space<hbm>>, %arg6: memref<128xi32, #tpu.memory_space<vmem>>, %arg7: memref<128xf32, #tpu.memory_space<vmem>>, %arg8: memref<128xf32, #tpu.memory_space<vmem>>, %arg9: memref<16xf32, #tpu.memory_space<vmem>>) attributes {dimension_semantics = [#tpu.dimension_semantics<core_parallel>, #tpu.dimension_semantics<subcore_parallel>], iteration_bounds = array<i64: 2, 16>, scalar_prefetch = 0 : i64, scratch_operands = 4 : i64, tpu.core_type = #tpu.core_type<sc_vector_subcore>, window_params = [{transform_indices = #map}, {transform_indices = #map}, {transform_indices = #map}, {transform_indices = #map}]} {
    %mul3A = arith.constant 2 : i32
    %mul3A_0 = arith.muli %arg1, %mul3A : i32
    %add3A = arith.addi %mul3A_0, %arg0 : i32
    "tpu.region"() ({
      %run_scoped3A = tpu.sem_alloc : memref<!tpu.dma_semaphore, #tpu.memory_space<semaphore_mem>>
      %dma_start3A = arith.constant 0 : i32
      %dma_start3A_195 = tpu.memref_slice %arg2[%add3A, %dma_start3A] : memref<32x128xi32, #tpu.memory_space<hbm>> -> memref<1x128xi32, #tpu.memory_space<hbm>>
      %dma_start3A_196 = tpu.memref_squeeze %dma_start3A_195 : memref<1x128xi32, #tpu.memory_space<hbm>> -> memref<128xi32, #tpu.memory_space<hbm>>
      %dma_start3A_197 = arith.constant 0 : i32
      %dma_start3A_198 = tpu.memref_slice %arg2[%add3A, %dma_start3A_197] : memref<32x128xi32, #tpu.memory_space<hbm>> -> memref<1x128xi32, #tpu.memory_space<hbm>>
      %dma_start3A_199 = tpu.memref_squeeze %dma_start3A_198 : memref<1x128xi32, #tpu.memory_space<hbm>> -> memref<128xi32, #tpu.memory_space<hbm>>
      tpu.enqueue_dma source(%dma_start3A_199 : memref<128xi32, #tpu.memory_space<hbm>>) target(%arg6 : memref<128xi32, #tpu.memory_space<vmem>>) target_semaphore(%run_scoped3A : memref<!tpu.dma_semaphore, #tpu.memory_space<semaphore_mem>>)
      %dma_wait3A = arith.constant 0 : i32
      %dma_wait3A_200 = tpu.memref_slice %arg2[%add3A, %dma_wait3A] : memref<32x128xi32, #tpu.memory_space<hbm>> -> memref<1x128xi32, #tpu.memory_space<hbm>>
      %dma_wait3A_201 = tpu.memref_squeeze %dma_wait3A_200 : memref<1x128xi32, #tpu.memory_space<hbm>> -> memref<128xi32, #tpu.memory_space<hbm>>
      %dma_wait3A_202 = arith.constant 0 : i32
      %dma_wait3A_203 = tpu.memref_slice %arg2[%add3A, %dma_wait3A_202] : memref<32x128xi32, #tpu.memory_space<hbm>> -> memref<1x128xi32, #tpu.memory_space<hbm>>
      %dma_wait3A_204 = tpu.memref_squeeze %dma_wait3A_203 : memref<1x128xi32, #tpu.memory_space<hbm>> -> memref<128xi32, #tpu.memory_space<hbm>>
      tpu.wait_dma2 semaphore(%run_scoped3A : memref<!tpu.dma_semaphore, #tpu.memory_space<semaphore_mem>>) src(%dma_wait3A_204 : memref<128xi32, #tpu.memory_space<hbm>>) dst(%arg6 : memref<128xi32, #tpu.memory_space<vmem>>)
      tpu.yield
    }) : () -> ()
    "tpu.region"() ({
      %run_scoped3A = tpu.sem_alloc : memref<!tpu.dma_semaphore, #tpu.memory_space<semaphore_mem>>
      %dma_start3A = arith.constant 0 : i32
      %dma_start3A_195 = tpu.memref_slice %arg3[%add3A, %dma_start3A] : memref<32x128xf32, #tpu.memory_space<hbm>> -> memref<1x128xf32, #tpu.memory_space<hbm>>
      %dma_start3A_196 = tpu.memref_squeeze %dma_start3A_195 : memref<1x128xf32, #tpu.memory_space<hbm>> -> memref<128xf32, #tpu.memory_space<hbm>>
      %dma_start3A_197 = arith.constant 0 : i32
      %dma_start3A_198 = tpu.memref_slice %arg3[%add3A, %dma_start3A_197] : memref<32x128xf32, #tpu.memory_space<hbm>> -> memref<1x128xf32, #tpu.memory_space<hbm>>
      %dma_start3A_199 = tpu.memref_squeeze %dma_start3A_198 : memref<1x128xf32, #tpu.memory_space<hbm>> -> memref<128xf32, #tpu.memory_space<hbm>>
      tpu.enqueue_dma source(%dma_start3A_199 : memref<128xf32, #tpu.memory_space<hbm>>) target(%arg7 : memref<128xf32, #tpu.memory_space<vmem>>) target_semaphore(%run_scoped3A : memref<!tpu.dma_semaphore, #tpu.memory_space<semaphore_mem>>)
      %dma_wait3A = arith.constant 0 : i32
      %dma_wait3A_200 = tpu.memref_slice %arg3[%add3A, %dma_wait3A] : memref<32x128xf32, #tpu.memory_space<hbm>> -> memref<1x128xf32, #tpu.memory_space<hbm>>
      %dma_wait3A_201 = tpu.memref_squeeze %dma_wait3A_200 : memref<1x128xf32, #tpu.memory_space<hbm>> -> memref<128xf32, #tpu.memory_space<hbm>>
      %dma_wait3A_202 = arith.constant 0 : i32
      %dma_wait3A_203 = tpu.memref_slice %arg3[%add3A, %dma_wait3A_202] : memref<32x128xf32, #tpu.memory_space<hbm>> -> memref<1x128xf32, #tpu.memory_space<hbm>>
      %dma_wait3A_204 = tpu.memref_squeeze %dma_wait3A_203 : memref<1x128xf32, #tpu.memory_space<hbm>> -> memref<128xf32, #tpu.memory_space<hbm>>
      tpu.wait_dma2 semaphore(%run_scoped3A : memref<!tpu.dma_semaphore, #tpu.memory_space<semaphore_mem>>) src(%dma_wait3A_204 : memref<128xf32, #tpu.memory_space<hbm>>) dst(%arg7 : memref<128xf32, #tpu.memory_space<vmem>>)
      tpu.yield
    }) : () -> ()
    "tpu.region"() ({
      %run_scoped3A = tpu.sem_alloc : memref<!tpu.dma_semaphore, #tpu.memory_space<semaphore_mem>>
      %dma_start3A = arith.constant 0 : i32
      %dma_start3A_195 = tpu.memref_slice %arg4[%add3A, %dma_start3A] : memref<32x128xf32, #tpu.memory_space<hbm>> -> memref<1x128xf32, #tpu.memory_space<hbm>>
      %dma_start3A_196 = tpu.memref_squeeze %dma_start3A_195 : memref<1x128xf32, #tpu.memory_space<hbm>> -> memref<128xf32, #tpu.memory_space<hbm>>
      %dma_start3A_197 = arith.constant 0 : i32
      %dma_start3A_198 = tpu.memref_slice %arg4[%add3A, %dma_start3A_197] : memref<32x128xf32, #tpu.memory_space<hbm>> -> memref<1x128xf32, #tpu.memory_space<hbm>>
      %dma_start3A_199 = tpu.memref_squeeze %dma_start3A_198 : memref<1x128xf32, #tpu.memory_space<hbm>> -> memref<128xf32, #tpu.memory_space<hbm>>
      tpu.enqueue_dma source(%dma_start3A_199 : memref<128xf32, #tpu.memory_space<hbm>>) target(%arg8 : memref<128xf32, #tpu.memory_space<vmem>>) target_semaphore(%run_scoped3A : memref<!tpu.dma_semaphore, #tpu.memory_space<semaphore_mem>>)
      %dma_wait3A = arith.constant 0 : i32
      %dma_wait3A_200 = tpu.memref_slice %arg4[%add3A, %dma_wait3A] : memref<32x128xf32, #tpu.memory_space<hbm>> -> memref<1x128xf32, #tpu.memory_space<hbm>>
      %dma_wait3A_201 = tpu.memref_squeeze %dma_wait3A_200 : memref<1x128xf32, #tpu.memory_space<hbm>> -> memref<128xf32, #tpu.memory_space<hbm>>
      %dma_wait3A_202 = arith.constant 0 : i32
      %dma_wait3A_203 = tpu.memref_slice %arg4[%add3A, %dma_wait3A_202] : memref<32x128xf32, #tpu.memory_space<hbm>> -> memref<1x128xf32, #tpu.memory_space<hbm>>
      %dma_wait3A_204 = tpu.memref_squeeze %dma_wait3A_203 : memref<1x128xf32, #tpu.memory_space<hbm>> -> memref<128xf32, #tpu.memory_space<hbm>>
      tpu.wait_dma2 semaphore(%run_scoped3A : memref<!tpu.dma_semaphore, #tpu.memory_space<semaphore_mem>>) src(%dma_wait3A_204 : memref<128xf32, #tpu.memory_space<hbm>>) dst(%arg8 : memref<128xf32, #tpu.memory_space<vmem>>)
      tpu.yield
    }) : () -> ()
    %broadcast_in_dim3A = arith.constant 0.000000e+00 : f32
    %broadcast_in_dim3A_1 = vector.broadcast %broadcast_in_dim3A : f32 to vector<16xf32>
    %broadcast_in_dim3A_2 = arith.constant 0.000000e+00 : f32
    %broadcast_in_dim3A_3 = vector.broadcast %broadcast_in_dim3A_2 : f32 to vector<16xf32>
    %get3A = arith.constant 0 : index
    %get3A_4 = tpu.vector_load %arg6[%get3A] {strides = array<i32>} : memref<128xi32, #tpu.memory_space<vmem>>, vector<16xi32>,
    %get3A_5 = vector.shape_cast %get3A_4 : vector<16xi32> to vector<16xi32>
    %ne3A = arith.constant 0 : i32
    %ne3A_6 = vector.broadcast %ne3A : i32 to vector<16xi32>
    %ne3A_7 = arith.cmpi ne, %get3A_5, %ne3A_6 : vector<16xi32>
    %get3A_8 = arith.constant 0 : index
    %get3A_9 = tpu.vector_load %arg8[%get3A_8] {strides = array<i32>} : memref<128xf32, #tpu.memory_space<vmem>>, vector<16xf32>,
    %get3A_10 = vector.shape_cast %get3A_9 : vector<16xf32> to vector<16xf32>
    %mul3A_11 = arith.constant 0.899996876 : f32
    %mul3A_12 = vector.broadcast %mul3A_11 : f32 to vector<16xf32>
    %mul3A_13 = arith.mulf %mul3A_12, %get3A_10 : vector<16xf32>
    %sub3A = arith.constant -1.3624258 : f32
    %sub3A_14 = vector.broadcast %sub3A : f32 to vector<16xf32>
    %sub3A_15 = arith.subf %sub3A_14, %mul3A_13 : vector<16xf32>
    %get3A_16 = arith.constant 0 : index
    %get3A_17 = tpu.vector_load %arg7[%get3A_16] {strides = array<i32>} : memref<128xf32, #tpu.memory_space<vmem>>, vector<16xf32>,
    %get3A_18 = vector.shape_cast %get3A_17 : vector<16xf32> to vector<16xf32>
    %mul3A_19 = arith.constant 3.12519524E-6 : f32
    %mul3A_20 = vector.broadcast %mul3A_19 : f32 to vector<16xf32>
    %mul3A_21 = arith.mulf %mul3A_20, %get3A_18 : vector<16xf32>
    %sub3A_22 = arith.subf %sub3A_15, %mul3A_21 : vector<16xf32>
    %select_n3A = arith.select %ne3A_7, %sub3A_22, %broadcast_in_dim3A_3 : vector<16xi1>, vector<16xf32>
    %add3A_23 = arith.addf %broadcast_in_dim3A_1, %select_n3A : vector<16xf32>
    %get3A_24 = arith.constant 16 : index
    %get3A_25 = tpu.vector_load %arg6[%get3A_24] {strides = array<i32>} : memref<128xi32, #tpu.memory_space<vmem>>, vector<16xi32>,
    %get3A_26 = vector.shape_cast %get3A_25 : vector<16xi32> to vector<16xi32>
    %ne3A_27 = arith.constant 0 : i32
    %ne3A_28 = vector.broadcast %ne3A_27 : i32 to vector<16xi32>
    %ne3A_29 = arith.cmpi ne, %get3A_26, %ne3A_28 : vector<16xi32>
    %get3A_30 = arith.constant 16 : index
    %get3A_31 = tpu.vector_load %arg8[%get3A_30] {strides = array<i32>} : memref<128xf32, #tpu.memory_space<vmem>>, vector<16xf32>,
    %get3A_32 = vector.shape_cast %get3A_31 : vector<16xf32> to vector<16xf32>
    %mul3A_33 = arith.constant 0.899996876 : f32
    %mul3A_34 = vector.broadcast %mul3A_33 : f32 to vector<16xf32>
    %mul3A_35 = arith.mulf %mul3A_34, %get3A_32 : vector<16xf32>
    %sub3A_36 = arith.constant -1.3624258 : f32
    %sub3A_37 = vector.broadcast %sub3A_36 : f32 to vector<16xf32>
    %sub3A_38 = arith.subf %sub3A_37, %mul3A_35 : vector<16xf32>
    %get3A_39 = arith.constant 16 : index
    %get3A_40 = tpu.vector_load %arg7[%get3A_39] {strides = array<i32>} : memref<128xf32, #tpu.memory_space<vmem>>, vector<16xf32>,
    %get3A_41 = vector.shape_cast %get3A_40 : vector<16xf32> to vector<16xf32>
    %mul3A_42 = arith.constant 3.12519524E-6 : f32
    %mul3A_43 = vector.broadcast %mul3A_42 : f32 to vector<16xf32>
    %mul3A_44 = arith.mulf %mul3A_43, %get3A_41 : vector<16xf32>
    %sub3A_45 = arith.subf %sub3A_38, %mul3A_44 : vector<16xf32>
    %select_n3A_46 = arith.select %ne3A_29, %sub3A_45, %broadcast_in_dim3A_3 : vector<16xi1>, vector<16xf32>
    %add3A_47 = arith.addf %add3A_23, %select_n3A_46 : vector<16xf32>
    %get3A_48 = arith.constant 32 : index
    %get3A_49 = tpu.vector_load %arg6[%get3A_48] {strides = array<i32>} : memref<128xi32, #tpu.memory_space<vmem>>, vector<16xi32>,
    %get3A_50 = vector.shape_cast %get3A_49 : vector<16xi32> to vector<16xi32>
    %ne3A_51 = arith.constant 0 : i32
    %ne3A_52 = vector.broadcast %ne3A_51 : i32 to vector<16xi32>
    %ne3A_53 = arith.cmpi ne, %get3A_50, %ne3A_52 : vector<16xi32>
    %get3A_54 = arith.constant 32 : index
    %get3A_55 = tpu.vector_load %arg8[%get3A_54] {strides = array<i32>} : memref<128xf32, #tpu.memory_space<vmem>>, vector<16xf32>,
    %get3A_56 = vector.shape_cast %get3A_55 : vector<16xf32> to vector<16xf32>
    %mul3A_57 = arith.constant 0.899996876 : f32
    %mul3A_58 = vector.broadcast %mul3A_57 : f32 to vector<16xf32>
    %mul3A_59 = arith.mulf %mul3A_58, %get3A_56 : vector<16xf32>
    %sub3A_60 = arith.constant -1.3624258 : f32
    %sub3A_61 = vector.broadcast %sub3A_60 : f32 to vector<16xf32>
    %sub3A_62 = arith.subf %sub3A_61, %mul3A_59 : vector<16xf32>
    %get3A_63 = arith.constant 32 : index
    %get3A_64 = tpu.vector_load %arg7[%get3A_63] {strides = array<i32>} : memref<128xf32, #tpu.memory_space<vmem>>, vector<16xf32>,
    %get3A_65 = vector.shape_cast %get3A_64 : vector<16xf32> to vector<16xf32>
    %mul3A_66 = arith.constant 3.12519524E-6 : f32
    %mul3A_67 = vector.broadcast %mul3A_66 : f32 to vector<16xf32>
    %mul3A_68 = arith.mulf %mul3A_67, %get3A_65 : vector<16xf32>
    %sub3A_69 = arith.subf %sub3A_62, %mul3A_68 : vector<16xf32>
    %select_n3A_70 = arith.select %ne3A_53, %sub3A_69, %broadcast_in_dim3A_3 : vector<16xi1>, vector<16xf32>
    %add3A_71 = arith.addf %add3A_47, %select_n3A_70 : vector<16xf32>
    %get3A_72 = arith.constant 48 : index
    %get3A_73 = tpu.vector_load %arg6[%get3A_72] {strides = array<i32>} : memref<128xi32, #tpu.memory_space<vmem>>, vector<16xi32>,
    %get3A_74 = vector.shape_cast %get3A_73 : vector<16xi32> to vector<16xi32>
    %ne3A_75 = arith.constant 0 : i32
    %ne3A_76 = vector.broadcast %ne3A_75 : i32 to vector<16xi32>
    %ne3A_77 = arith.cmpi ne, %get3A_74, %ne3A_76 : vector<16xi32>
    %get3A_78 = arith.constant 48 : index
    %get3A_79 = tpu.vector_load %arg8[%get3A_78] {strides = array<i32>} : memref<128xf32, #tpu.memory_space<vmem>>, vector<16xf32>,
    %get3A_80 = vector.shape_cast %get3A_79 : vector<16xf32> to vector<16xf32>
    %mul3A_81 = arith.constant 0.899996876 : f32
    %mul3A_82 = vector.broadcast %mul3A_81 : f32 to vector<16xf32>
    %mul3A_83 = arith.mulf %mul3A_82, %get3A_80 : vector<16xf32>
    %sub3A_84 = arith.constant -1.3624258 : f32
    %sub3A_85 = vector.broadcast %sub3A_84 : f32 to vector<16xf32>
    %sub3A_86 = arith.subf %sub3A_85, %mul3A_83 : vector<16xf32>
    %get3A_87 = arith.constant 48 : index
    %get3A_88 = tpu.vector_load %arg7[%get3A_87] {strides = array<i32>} : memref<128xf32, #tpu.memory_space<vmem>>, vector<16xf32>,
    %get3A_89 = vector.shape_cast %get3A_88 : vector<16xf32> to vector<16xf32>
    %mul3A_90 = arith.constant 3.12519524E-6 : f32
    %mul3A_91 = vector.broadcast %mul3A_90 : f32 to vector<16xf32>
    %mul3A_92 = arith.mulf %mul3A_91, %get3A_89 : vector<16xf32>
    %sub3A_93 = arith.subf %sub3A_86, %mul3A_92 : vector<16xf32>
    %select_n3A_94 = arith.select %ne3A_77, %sub3A_93, %broadcast_in_dim3A_3 : vector<16xi1>, vector<16xf32>
    %add3A_95 = arith.addf %add3A_71, %select_n3A_94 : vector<16xf32>
    %get3A_96 = arith.constant 64 : index
    %get3A_97 = tpu.vector_load %arg6[%get3A_96] {strides = array<i32>} : memref<128xi32, #tpu.memory_space<vmem>>, vector<16xi32>,
    %get3A_98 = vector.shape_cast %get3A_97 : vector<16xi32> to vector<16xi32>
    %ne3A_99 = arith.constant 0 : i32
    %ne3A_100 = vector.broadcast %ne3A_99 : i32 to vector<16xi32>
    %ne3A_101 = arith.cmpi ne, %get3A_98, %ne3A_100 : vector<16xi32>
    %get3A_102 = arith.constant 64 : index
    %get3A_103 = tpu.vector_load %arg8[%get3A_102] {strides = array<i32>} : memref<128xf32, #tpu.memory_space<vmem>>, vector<16xf32>,
    %get3A_104 = vector.shape_cast %get3A_103 : vector<16xf32> to vector<16xf32>
    %mul3A_105 = arith.constant 0.899996876 : f32
    %mul3A_106 = vector.broadcast %mul3A_105 : f32 to vector<16xf32>
    %mul3A_107 = arith.mulf %mul3A_106, %get3A_104 : vector<16xf32>
    %sub3A_108 = arith.constant -1.3624258 : f32
    %sub3A_109 = vector.broadcast %sub3A_108 : f32 to vector<16xf32>
    %sub3A_110 = arith.subf %sub3A_109, %mul3A_107 : vector<16xf32>
    %get3A_111 = arith.constant 64 : index
    %get3A_112 = tpu.vector_load %arg7[%get3A_111] {strides = array<i32>} : memref<128xf32, #tpu.memory_space<vmem>>, vector<16xf32>,
    %get3A_113 = vector.shape_cast %get3A_112 : vector<16xf32> to vector<16xf32>
    %mul3A_114 = arith.constant 3.12519524E-6 : f32
    %mul3A_115 = vector.broadcast %mul3A_114 : f32 to vector<16xf32>
    %mul3A_116 = arith.mulf %mul3A_115, %get3A_113 : vector<16xf32>
    %sub3A_117 = arith.subf %sub3A_110, %mul3A_116 : vector<16xf32>
    %select_n3A_118 = arith.select %ne3A_101, %sub3A_117, %broadcast_in_dim3A_3 : vector<16xi1>, vector<16xf32>
    %add3A_119 = arith.addf %add3A_95, %select_n3A_118 : vector<16xf32>
    %get3A_120 = arith.constant 80 : index
    %get3A_121 = tpu.vector_load %arg6[%get3A_120] {strides = array<i32>} : memref<128xi32, #tpu.memory_space<vmem>>, vector<16xi32>,
    %get3A_122 = vector.shape_cast %get3A_121 : vector<16xi32> to vector<16xi32>
    %ne3A_123 = arith.constant 0 : i32
    %ne3A_124 = vector.broadcast %ne3A_123 : i32 to vector<16xi32>
    %ne3A_125 = arith.cmpi ne, %get3A_122, %ne3A_124 : vector<16xi32>
    %get3A_126 = arith.constant 80 : index
    %get3A_127 = tpu.vector_load %arg8[%get3A_126] {strides = array<i32>} : memref<128xf32, #tpu.memory_space<vmem>>, vector<16xf32>,
    %get3A_128 = vector.shape_cast %get3A_127 : vector<16xf32> to vector<16xf32>
    %mul3A_129 = arith.constant 0.899996876 : f32
    %mul3A_130 = vector.broadcast %mul3A_129 : f32 to vector<16xf32>
    %mul3A_131 = arith.mulf %mul3A_130, %get3A_128 : vector<16xf32>
    %sub3A_132 = arith.constant -1.3624258 : f32
    %sub3A_133 = vector.broadcast %sub3A_132 : f32 to vector<16xf32>
    %sub3A_134 = arith.subf %sub3A_133, %mul3A_131 : vector<16xf32>
    %get3A_135 = arith.constant 80 : index
    %get3A_136 = tpu.vector_load %arg7[%get3A_135] {strides = array<i32>} : memref<128xf32, #tpu.memory_space<vmem>>, vector<16xf32>,
    %get3A_137 = vector.shape_cast %get3A_136 : vector<16xf32> to vector<16xf32>
    %mul3A_138 = arith.constant 3.12519524E-6 : f32
    %mul3A_139 = vector.broadcast %mul3A_138 : f32 to vector<16xf32>
    %mul3A_140 = arith.mulf %mul3A_139, %get3A_137 : vector<16xf32>
    %sub3A_141 = arith.subf %sub3A_134, %mul3A_140 : vector<16xf32>
    %select_n3A_142 = arith.select %ne3A_125, %sub3A_141, %broadcast_in_dim3A_3 : vector<16xi1>, vector<16xf32>
    %add3A_143 = arith.addf %add3A_119, %select_n3A_142 : vector<16xf32>
    %get3A_144 = arith.constant 96 : index
    %get3A_145 = tpu.vector_load %arg6[%get3A_144] {strides = array<i32>} : memref<128xi32, #tpu.memory_space<vmem>>, vector<16xi32>,
    %get3A_146 = vector.shape_cast %get3A_145 : vector<16xi32> to vector<16xi32>
    %ne3A_147 = arith.constant 0 : i32
    %ne3A_148 = vector.broadcast %ne3A_147 : i32 to vector<16xi32>
    %ne3A_149 = arith.cmpi ne, %get3A_146, %ne3A_148 : vector<16xi32>
    %get3A_150 = arith.constant 96 : index
    %get3A_151 = tpu.vector_load %arg8[%get3A_150] {strides = array<i32>} : memref<128xf32, #tpu.memory_space<vmem>>, vector<16xf32>,
    %get3A_152 = vector.shape_cast %get3A_151 : vector<16xf32> to vector<16xf32>
    %mul3A_153 = arith.constant 0.899996876 : f32
    %mul3A_154 = vector.broadcast %mul3A_153 : f32 to vector<16xf32>
    %mul3A_155 = arith.mulf %mul3A_154, %get3A_152 : vector<16xf32>
    %sub3A_156 = arith.constant -1.3624258 : f32
    %sub3A_157 = vector.broadcast %sub3A_156 : f32 to vector<16xf32>
    %sub3A_158 = arith.subf %sub3A_157, %mul3A_155 : vector<16xf32>
    %get3A_159 = arith.constant 96 : index
    %get3A_160 = tpu.vector_load %arg7[%get3A_159] {strides = array<i32>} : memref<128xf32, #tpu.memory_space<vmem>>, vector<16xf32>,
    %get3A_161 = vector.shape_cast %get3A_160 : vector<16xf32> to vector<16xf32>
    %mul3A_162 = arith.constant 3.12519524E-6 : f32
    %mul3A_163 = vector.broadcast %mul3A_162 : f32 to vector<16xf32>
    %mul3A_164 = arith.mulf %mul3A_163, %get3A_161 : vector<16xf32>
    %sub3A_165 = arith.subf %sub3A_158, %mul3A_164 : vector<16xf32>
    %select_n3A_166 = arith.select %ne3A_149, %sub3A_165, %broadcast_in_dim3A_3 : vector<16xi1>, vector<16xf32>
    %add3A_167 = arith.addf %add3A_143, %select_n3A_166 : vector<16xf32>
    %get3A_168 = arith.constant 112 : index
    %get3A_169 = tpu.vector_load %arg6[%get3A_168] {strides = array<i32>} : memref<128xi32, #tpu.memory_space<vmem>>, vector<16xi32>,
    %get3A_170 = vector.shape_cast %get3A_169 : vector<16xi32> to vector<16xi32>
    %ne3A_171 = arith.constant 0 : i32
    %ne3A_172 = vector.broadcast %ne3A_171 : i32 to vector<16xi32>
    %ne3A_173 = arith.cmpi ne, %get3A_170, %ne3A_172 : vector<16xi32>
    %get3A_174 = arith.constant 112 : index
    %get3A_175 = tpu.vector_load %arg8[%get3A_174] {strides = array<i32>} : memref<128xf32, #tpu.memory_space<vmem>>, vector<16xf32>,
    %get3A_176 = vector.shape_cast %get3A_175 : vector<16xf32> to vector<16xf32>
    %mul3A_177 = arith.constant 0.899996876 : f32
    %mul3A_178 = vector.broadcast %mul3A_177 : f32 to vector<16xf32>
    %mul3A_179 = arith.mulf %mul3A_178, %get3A_176 : vector<16xf32>
    %sub3A_180 = arith.constant -1.3624258 : f32
    %sub3A_181 = vector.broadcast %sub3A_180 : f32 to vector<16xf32>
    %sub3A_182 = arith.subf %sub3A_181, %mul3A_179 : vector<16xf32>
    %get3A_183 = arith.constant 112 : index
    %get3A_184 = tpu.vector_load %arg7[%get3A_183] {strides = array<i32>} : memref<128xf32, #tpu.memory_space<vmem>>, vector<16xf32>,
    %get3A_185 = vector.shape_cast %get3A_184 : vector<16xf32> to vector<16xf32>
    %mul3A_186 = arith.constant 3.12519524E-6 : f32
    %mul3A_187 = vector.broadcast %mul3A_186 : f32 to vector<16xf32>
    %mul3A_188 = arith.mulf %mul3A_187, %get3A_185 : vector<16xf32>
    %sub3A_189 = arith.subf %sub3A_182, %mul3A_188 : vector<16xf32>
    %select_n3A_190 = arith.select %ne3A_173, %sub3A_189, %broadcast_in_dim3A_3 : vector<16xi1>, vector<16xf32>
    %add3A_191 = arith.addf %add3A_167, %select_n3A_190 : vector<16xf32>
    %swap3A = arith.constant 0 : index
    %swap3A_192 = tpu.vector_load %arg9[%swap3A] {strides = array<i32>} : memref<16xf32, #tpu.memory_space<vmem>>, vector<16xf32>,
    %swap3A_193 = vector.shape_cast %swap3A_192 : vector<16xf32> to vector<16xf32>
    %swap3A_194 = vector.shape_cast %add3A_191 : vector<16xf32> to vector<16xf32>
    tpu.vector_store %arg9[%swap3A], %swap3A_194 {strides = array<i32>} : memref<16xf32, #tpu.memory_space<vmem>>, vector<16xf32>,
    "tpu.region"() ({
      %run_scoped3A = tpu.sem_alloc : memref<!tpu.dma_semaphore, #tpu.memory_space<semaphore_mem>>
      %dma_start3A = arith.constant 0 : i32
      %dma_start3A_195 = tpu.memref_slice %arg5[%add3A, %dma_start3A] : memref<32x16xf32, #tpu.memory_space<hbm>> -> memref<1x16xf32, #tpu.memory_space<hbm>>
      %dma_start3A_196 = tpu.memref_squeeze %dma_start3A_195 : memref<1x16xf32, #tpu.memory_space<hbm>> -> memref<16xf32, #tpu.memory_space<hbm>>
      %dma_start3A_197 = arith.constant 0 : i32
      %dma_start3A_198 = tpu.memref_slice %arg5[%add3A, %dma_start3A_197] : memref<32x16xf32, #tpu.memory_space<hbm>> -> memref<1x16xf32, #tpu.memory_space<hbm>>
      %dma_start3A_199 = tpu.memref_squeeze %dma_start3A_198 : memref<1x16xf32, #tpu.memory_space<hbm>> -> memref<16xf32, #tpu.memory_space<hbm>>
      tpu.enqueue_dma source(%arg9 : memref<16xf32, #tpu.memory_space<vmem>>) target(%dma_start3A_199 : memref<16xf32, #tpu.memory_space<hbm>>) target_semaphore(%run_scoped3A : memref<!tpu.dma_semaphore, #tpu.memory_space<semaphore_mem>>)
      %dma_wait3A = arith.constant 0 : i32
      %dma_wait3A_200 = tpu.memref_slice %arg5[%add3A, %dma_wait3A] : memref<32x16xf32, #tpu.memory_space<hbm>> -> memref<1x16xf32, #tpu.memory_space<hbm>>
      %dma_wait3A_201 = tpu.memref_squeeze %dma_wait3A_200 : memref<1x16xf32, #tpu.memory_space<hbm>> -> memref<16xf32, #tpu.memory_space<hbm>>
      %dma_wait3A_202 = arith.constant 0 : i32
      %dma_wait3A_203 = tpu.memref_slice %arg5[%add3A, %dma_wait3A_202] : memref<32x16xf32, #tpu.memory_space<hbm>> -> memref<1x16xf32, #tpu.memory_space<hbm>>
      %dma_wait3A_204 = tpu.memref_squeeze %dma_wait3A_203 : memref<1x16xf32, #tpu.memory_space<hbm>> -> memref<16xf32, #tpu.memory_space<hbm>>
      tpu.wait_dma2 semaphore(%run_scoped3A : memref<!tpu.dma_semaphore, #tpu.memory_space<semaphore_mem>>) src(%arg9 : memref<16xf32, #tpu.memory_space<vmem>>) dst(%dma_wait3A_204 : memref<16xf32, #tpu.memory_space<hbm>>)
      tpu.yield
    }) : () -> ()
    return
  }
}

module attributes {stable_mosaic.version = 14 : i64} {
  func.func @_tc_body(%arg0: i32, %arg1: i32, %arg2: memref<8x128xi32, #tpu.memory_space<vmem>>, %arg3: memref<1024x3200xf32, #tpu.memory_space<vmem>>, %arg4: memref<8x128xf32, #tpu.memory_space<vmem>>, %arg5: memref<8x128xf32, #tpu.memory_space<vmem>>) attributes {dimension_semantics = [#tpu.dimension_semantics<parallel>, #tpu.dimension_semantics<arbitrary>], iteration_bounds = array<i64: 4, 10>, scalar_prefetch = 0 : i64, scratch_operands = 0 : i64, tpu.core_type = #tpu.core_type<tc>, window_params = [{transform_indices = @transform_0, window_bounds = array<i64: 8, 128>}, {transform_indices = @transform_1, window_bounds = array<i64: 1024, 3200>}, {transform_indices = @transform_2, window_bounds = array<i64: 8, 128>}, {transform_indices = @transform_3, window_bounds = array<i64: 8, 128>}]} {
    %get3A = arith.constant 0 : index
    %get3A_0 = arith.constant 0 : index
    %get3A_1 = vector.load %arg3[%get3A, %get3A_0] : memref<1024x3200xf32, #tpu.memory_space<vmem>>, vector<1024x3200xf32>
    %reshape3A = vector.shape_cast %get3A_1 : vector<1024x3200xf32> to vector<8x128x3200xf32>
    %get3A_2 = arith.constant 0 : index
    %get3A_3 = arith.constant 0 : index
    %get3A_4 = vector.load %arg2[%get3A_2, %get3A_3] : memref<8x128xi32, #tpu.memory_space<vmem>>, vector<8x128xi32>
    %reshape3A_5 = vector.shape_cast %get3A_4 : vector<8x128xi32> to vector<8x128x1xi32>
    %mul3A = arith.constant 3200 : i32
    %mul3A_6 = arith.muli %arg1, %mul3A : i32
    %iota3A = tpu.iota {dimensions = array<i32: 2>} : vector<8x128x3200xi32>
    %add3A = vector.broadcast %mul3A_6 : i32 to vector<8x128x3200xi32>
    %add3A_7 = arith.addi %add3A, %iota3A : vector<8x128x3200xi32>
    %eq3A = vector.broadcast %reshape3A_5 : vector<8x128x1xi32> to vector<8x128x3200xi32>
    %eq3A_8 = arith.cmpi eq, %add3A_7, %eq3A : vector<8x128x3200xi32>
    %jit3A = arith.constant 0.000000e+00 : f32
    %broadcast_in_dim3A = vector.broadcast %jit3A : f32 to vector<8x128x3200xf32>
    %select_n3A = arith.select %eq3A_8, %reshape3A, %broadcast_in_dim3A : vector<8x128x3200xi1>, vector<8x128x3200xf32>
    %reduce_sum3A = arith.constant dense<0.000000e+00> : vector<8x128xf32>
    %reduce_sum3A_9 = vector.multi_reduction <add>, %select_n3A, %reduce_sum3A [2] : vector<8x128x3200xf32> to vector<8x128xf32>
    %reduce_sum3A_10 = arith.constant dense<0.000000e+00> : vector<8x128xf32>
    %reduce_sum3A_11 = vector.multi_reduction <add>, %reshape3A, %reduce_sum3A_10 [2] : vector<8x128x3200xf32> to vector<8x128xf32>
    %eq3A_12 = arith.constant 0 : i32
    %eq3A_13 = arith.cmpi eq, %arg1, %eq3A_12 : i32
    %convert_element_type3A = arith.extui %eq3A_13 : i1 to i32
    %cond3A = arith.constant 0 : i32
    %cond3A_14 = arith.cmpi ne, %convert_element_type3A, %cond3A : i32
    scf.if %cond3A_14 {
      %slice3A = vector.extract_strided_slice %reshape3A {offsets = [0, 0, 0], sizes = [8, 128, 1], strides = [1, 1, 1]} : vector<8x128x3200xf32> to vector<8x128x1xf32>
      %squeeze3A = vector.shape_cast %slice3A : vector<8x128x1xf32> to vector<8x128xf32>
      %sub3A = arith.subf %reduce_sum3A_11, %squeeze3A : vector<8x128xf32>
      %swap3A = arith.constant 0 : index
      %swap3A_19 = arith.constant 0 : index
      %swap3A_20 = vector.load %arg4[%swap3A, %swap3A_19] : memref<8x128xf32, #tpu.memory_space<vmem>>, vector<8x128xf32>
      tpu.vector_store %arg4[%swap3A, %swap3A_19], %sub3A {strides = array<i32>} : memref<8x128xf32, #tpu.memory_space<vmem>>, vector<8x128xf32>,
      %swap3A_21 = arith.constant 0 : index
      %swap3A_22 = arith.constant 0 : index
      %swap3A_23 = vector.load %arg5[%swap3A_21, %swap3A_22] : memref<8x128xf32, #tpu.memory_space<vmem>>, vector<8x128xf32>
      tpu.vector_store %arg5[%swap3A_21, %swap3A_22], %reduce_sum3A_9 {strides = array<i32>} : memref<8x128xf32, #tpu.memory_space<vmem>>, vector<8x128xf32>,
    } else {
    }
    %ne3A = arith.constant 0 : i32
    %ne3A_15 = arith.cmpi ne, %arg1, %ne3A : i32
    %convert_element_type3A_16 = arith.extui %ne3A_15 : i1 to i32
    %cond3A_17 = arith.constant 0 : i32
    %cond3A_18 = arith.cmpi ne, %convert_element_type3A_16, %cond3A_17 : i32
    scf.if %cond3A_18 {
      %get3A_19 = arith.constant 0 : index
      %get3A_20 = arith.constant 0 : index
      %get3A_21 = vector.load %arg4[%get3A_19, %get3A_20] : memref<8x128xf32, #tpu.memory_space<vmem>>, vector<8x128xf32>
      %add3A_22 = arith.addf %get3A_21, %reduce_sum3A_11 : vector<8x128xf32>
      %swap3A = arith.constant 0 : index
      %swap3A_23 = arith.constant 0 : index
      %swap3A_24 = vector.load %arg4[%swap3A, %swap3A_23] : memref<8x128xf32, #tpu.memory_space<vmem>>, vector<8x128xf32>
      tpu.vector_store %arg4[%swap3A, %swap3A_23], %add3A_22 {strides = array<i32>} : memref<8x128xf32, #tpu.memory_space<vmem>>, vector<8x128xf32>,
      %get3A_25 = arith.constant 0 : index
      %get3A_26 = arith.constant 0 : index
      %get3A_27 = vector.load %arg5[%get3A_25, %get3A_26] : memref<8x128xf32, #tpu.memory_space<vmem>>, vector<8x128xf32>
      %add3A_28 = arith.addf %get3A_27, %reduce_sum3A_9 : vector<8x128xf32>
      %swap3A_29 = arith.constant 0 : index
      %swap3A_30 = arith.constant 0 : index
      %swap3A_31 = vector.load %arg5[%swap3A_29, %swap3A_30] : memref<8x128xf32, #tpu.memory_space<vmem>>, vector<8x128xf32>
      tpu.vector_store %arg5[%swap3A_29, %swap3A_30], %add3A_28 {strides = array<i32>} : memref<8x128xf32, #tpu.memory_space<vmem>>, vector<8x128xf32>,
    } else {
    }
    return
  }
  func.func @transform_0(%arg0: i32, %arg1: i32) -> (i32, i32) {
    %c0_i32 = arith.constant 0 : i32
    %c0_i32_0 = arith.constant 0 : i32
    return %arg0, %c0_i32 : i32, i32
  }
  func.func @transform_1(%arg0: i32, %arg1: i32) -> (i32, i32) {
    %c0_i32 = arith.constant 0 : i32
    return %arg0, %arg1 : i32, i32
  }
  func.func @transform_2(%arg0: i32, %arg1: i32) -> (i32, i32) {
    %c0_i32 = arith.constant 0 : i32
    %c0_i32_0 = arith.constant 0 : i32
    return %arg0, %c0_i32 : i32, i32
  }
  func.func @transform_3(%arg0: i32, %arg1: i32) -> (i32, i32) {
    %c0_i32 = arith.constant 0 : i32
    %c0_i32_0 = arith.constant 0 : i32
    return %arg0, %c0_i32 : i32, i32
  }
}

</mosaic_0001>

<sc_bundles>
// kernel: kernel.4.cloned.1.call-start
scs
__scs_entry_jumppad:
0x0: {  	(pc) =	sbr.rel $0x88, $3  }
0x1: {  	(tag) =	ssettag $0x0;
	lr =	simm.s32 $0x1  }
0x2: {  	[smem:$0x3F9F] =	sst lr;
	_ =	strace $0xD0000000  }
0x3: {  	_ = 	snop  }
0x4: {  	_ = 	snop  }
0x5: {  	_ = 	snop  }
0x6: {  	_ = 	snop  }
0x7: {  	_ = 	snop  }
__scs_overlays_trampoline_lowered:
0x8: {  	[smem:$0x3FAE] =	sst s0  }
0x9: {  	[smem:$0x3FAF] =	sst s1  }
0xa: {  	[smem:$0x3FB0] =	sst s2  }
0xb: {  	[smem:$0x3FB1] =	sst s3  }
0xc: {  	[smem:$0x3FB2] =	sst s4  }
0xd: {  	[smem:$0x3FB3] =	sst s5  }
0xe: {  	[smem:$0x3FB4] =	sst s6  }
0xf: {  	[smem:$0x3FB5] =	sst s7  }
0x10: {  	[smem:$0x3FB6] =	sst s8  }
0x11: {  	[smem:$0x3FB7] =	sst s9;
	s0 =	simm.s32 @!p0 $0x0  }
0x12: {  	s1 =	sld [smem:$0x3F9D];
	s0 =	simm.s32 @p0 $0x1  }
0x13: {  	[smem:$0x3FB8] =	sst s0;
	s0 =	simm.s32 @!p1 $0x0  }
0x14: {  	s2 =	sld [smem:$0x3F9C];
	s0 =	simm.s32 @p1 $0x1  }
0x15: {  	[smem:$0x3FB9] =	sst s0;
	s0 =	simm.s32 @!p2 $0x0  }
0x16: {  	s3 =	sld [smem:$0x3FDB];
	s0 =	simm.s32 @p2 $0x1  }
0x17: {  	s4 =	simm.s32 $0x1BF5;
	[smem:$0x3FBB] =	sst s0  }
0x18: {  	s0 =	sld [smem:$0x3F9E];
	_ =	swait.ge [sflag:s4], $0x0  }
0x19: {  	s7 =	sld [smem:$0x3F9F]  }
0x1a: {  	s8 =	sadd.s32 $0xFFFFE003, lr  }
0x1b: {  	s9 =	sadd.s32 $0xFFFFFEF7, lr;
	s5 =	simm.s32 $0xFFFFFFFF;
	p2 =	slt.u32 s8, $0xFFFFF086  }
0x1c: {  	p1 =	slt.u32 s9, $0xF7A;
	s5 =	simm.s32 @!p2 $0x0  }
0x1d: {  	s5 =	simm.s32 @p1 $0x1;
	p0 =	seq.s32 s7, s2  }
0x1e: {  	s7 =	smul.u32 @!p0 $0xF7A, s2;
	p2 =	seq.s32 @!p0 s5, $0x0  }
0x1f: {  	s9 =	smul.u32 $0xF7A, s1;
	s8 =	simm.s32 @!p0 $0x1BF5;
	p2 =	por !p2, p0  }
0x20: {  	[sflag:s8] =	ssyncset.s32 @!p0 $0xFFFFF086;
	s6 =	sadd.s32 @!p0 s3, s7;
	s7 =	simm.s32 @!p0 $0x108  }
0x21: {  	s3 =	sadd.s32 s3, s9;
	s6 =	sadd.s32 @!p0 $0x88, s6;
	s7 =	simm.s32 @p2 $0x1082  }
0x22: {  	[simem:s7], [sflag:s8] =	dma.local @!p0 [hbm:s6], $0xF7A  }
0x23: {  	s9 =	sor.u32 $0xD0000000, s2;
	s6 =	simm.s32 $0x108;
	_ =	swait.ge @!p0 [sflag:s8], $0x0  }
0x24: {  	s3 =	sadd.s32 $0x88, s3;
	s6 =	simm.s32 @!p1 $0x1082;
	[sflag:s4] =	ssyncset.s32 $0xFFFFF086  }
0x25: {  	[simem:s6], [sflag:s4] =	dma.local [hbm:s3], $0xF7A  }
0x26: {  	[smem:$0x3F9F] =	sst s1;
	(tag) =	ssettag s2;
	_ =	strace s9  }
0x27: {  	s1 =	sld [smem:$0x3FAF]  }
0x28: {  	s2 =	sld [smem:$0x3FB0]  }
0x29: {  	s4 =	sld [smem:$0x3FB2]  }
0x2a: {  	p0 =	seq.s32 s5, $0x0;
	s5 =	sld [smem:$0x3FB3]  }
0x2b: {  	s6 =	sld [smem:$0x3FB4]  }
0x2c: {  	s7 =	sld [smem:$0x3FB5]  }
0x2d: {  	s3 =	simm.s32 $0x108;
	s8 =	sld [smem:$0x3FB6]  }
0x2e: {  	s3 =	simm.s32 @!p0 $0x1082;
	s9 =	sld [smem:$0x3FB7]  }
0x2f: {  	lr =	sadd.s32 s0, s3;
	s0 =	sld [smem:$0x3FAE]  }
0x30: {  	s3 =	sld [smem:$0x3FB1]  }
0x31: {  	[smem:$0x3FBA] =	sst s10  }
0x32: {  	s10 =	sld [smem:$0x3FB8];
	_ =	sdelay $0x3  }
0x33: {  	p0 =	seq.s32 s10, $0x1;
	s10 =	sld [smem:$0x3FBA];
	_ =	sdelay $0x3  }
0x34: {  	[smem:$0x3FBA] =	sst s10  }
0x35: {  	s10 =	sld [smem:$0x3FB9];
	_ =	sdelay $0x3  }
0x36: {  	p1 =	seq.s32 s10, $0x1;
	s10 =	sld [smem:$0x3FBA];
	_ =	sdelay $0x3  }
0x37: {  	[smem:$0x3FBA] =	sst s10  }
0x38: {  	s10 =	sld [smem:$0x3FBB]  }
0x39: {  	_ = 	snop;
	(pc) =	sbr.ind lr, $3  }
0x3a: {  	_ = 	snop  }
0x3b: {  	_ = 	snop  }
0x3c: {  	p2 =	seq.s32 s10, $0x1;
	s10 =	sld [smem:$0x3FBA]  }
0x3d: {  	_ =	shalt  }
0x3e: {  	_ =	shalt  }
0x3f: {  	_ =	shalt  }
0x40: {  	_ =	shalt  }
0x41: {  	_ =	shalt  }
0x42: {  	_ =	shalt  }
0x43: {  	_ =	shalt  }
0x44: {  	_ =	shalt  }
0x45: {  	_ =	shalt  }
0x46: {  	_ =	shalt  }
0x47: {  	_ =	shalt  }
0x48: {  	_ =	shalt  }
0x49: {  	_ =	shalt  }
0x4a: {  	_ =	shalt  }
0x4b: {  	_ =	shalt  }
0x4c: {  	_ =	shalt  }
0x4d: {  	_ =	shalt  }
0x4e: {  	_ =	shalt  }
0x4f: {  	_ =	shalt  }
0x50: {  	_ =	shalt  }
0x51: {  	_ =	shalt  }
0x52: {  	_ =	shalt  }
0x53: {  	_ =	shalt  }
0x54: {  	_ =	shalt  }
0x55: {  	_ =	shalt  }
0x56: {  	_ =	shalt  }
0x57: {  	_ =	shalt  }
0x58: {  	_ =	shalt  }
0x59: {  	_ =	shalt  }
0x5a: {  	_ =	shalt  }
0x5b: {  	_ =	shalt  }
0x5c: {  	_ =	shalt  }
0x5d: {  	_ =	shalt  }
0x5e: {  	_ =	shalt  }
0x5f: {  	_ =	shalt  }
0x60: {  	_ =	shalt  }
0x61: {  	_ =	shalt  }
0x62: {  	_ =	shalt  }
0x63: {  	_ =	shalt  }
0x64: {  	_ =	shalt  }
0x65: {  	_ =	shalt  }
0x66: {  	_ =	shalt  }
0x67: {  	_ =	shalt  }
0x68: {  	_ =	shalt  }
0x69: {  	_ =	shalt  }
0x6a: {  	_ =	shalt  }
0x6b: {  	_ =	shalt  }
0x6c: {  	_ =	shalt  }
0x6d: {  	_ =	shalt  }
0x6e: {  	_ =	shalt  }
0x6f: {  	_ =	shalt  }
0x70: {  	_ =	shalt  }
0x71: {  	_ =	shalt  }
0x72: {  	_ =	shalt  }
0x73: {  	_ =	shalt  }
0x74: {  	_ =	shalt  }
0x75: {  	_ =	shalt  }
0x76: {  	_ =	shalt  }
0x77: {  	_ =	shalt  }
0x78: {  	_ =	shalt  }
0x79: {  	_ =	shalt  }
0x7a: {  	_ =	shalt  }
0x7b: {  	_ =	shalt  }
0x7c: {  	_ =	shalt  }
0x7d: {  	_ =	shalt  }
0x7e: {  	_ =	shalt  }
0x7f: {  	_ =	shalt  }
0x80: {  	_ =	shalt  }
0x81: {  	_ =	shalt  }
0x82: {  	_ =	shalt  }
0x83: {  	_ =	shalt  }
0x84: {  	_ =	shalt  }
0x85: {  	_ =	shalt  }
0x86: {  	_ =	shalt  }
0x87: {  	_ =	shalt  }
.Lfunc_end0:
.L_simem_size_0:
called_computation_lowered:
.L_overlay_start_0:
0x88: {  	s2 =	sld [smem:$0x3FD9]  }
0x89: {  	s3 =	sld [smem:$0x3FFE];
	_ =	sdelay $0x1  }
0x8a: {  	s1 =	srdreg.scid  }
0x8b: {  	s0 =	sand.u32 $0x1, s1  }
0x8c: {  	s17 =	sshll.u32 s0, $0xA;
	s2 =	sadd.s32 s3, s2  }
0x8d: {  	s2 =	sadd.s32 s2, s17  }
0x8e: {  	[smem:$0x3FC6] =	sst s2  }
0x8f: {  	_ = 	snop  }
0x90: {  	s2 =	sld [smem:$0x3FC8];
	(tm) =	ssettm $0x1  }
0x91: {  	s18 =	sld [smem:$0x3FFB];
	_ =	sdelay $0x3  }
0x92: {  	_ =	strace s18  }
0x93: {  	s3 =	sld [smem:$0x3FFC];
	_ =	sdelay $0x3  }
0x94: {  	_ =	strace s3  }
0x95: {  	s3 =	sld [smem:$0x3FFD];
	_ =	sdelay $0x3  }
0x96: {  	_ =	strace s3  }
0x97: {  	_ =	strace $0x8FFFFFFF  }
0x98: {  	s19 =	sld [smem:$0x3FDB];
	_ =	sdelay $0x1  }
0x99: {  	s4 =	simm.s32 $_scs_section_size  }
0x9a: {  	s5 =	simm.s32 $_size__tile_overlayer_lowered;
	s6 =	simm.s32 $_tile_overlayer_lowered  }
0x9b: {  	s22 =	simm.s32 $0x1BFF;
	s21 =	sshll.u32 s6, $0x1;
	s3 =	sadd.s32 s4, s19  }
0x9c: {  	s7 =	simm.s32 $0x0;
	s20 =	sshll.u32 s5, $0x1;
	s5 =	sadd.s32 s21, s3  }
0x9d: {  	[timem:s7], [sflag:s22] =	dma.local [hbm:s5], s20  }
0x9e: {  	_ =	swait.ge [sflag:s22], s20  }
0x9f: {  	s4 =	ssub.s32 $0x0, s20;
	[sflag:s22] =	ssyncset.done $0x0  }
0xa0: {  	[sflag:s22] =	ssyncadd.s32 s4;
	_ =	sdelay $0x1  }
0xa1: {  	s23 =	simm.s32 $0x1B8B  }
0xa2: {  	_ =	swait.ge [sflag:s23], $0x1  }
0xa3: {  	[sflag:s23] =	ssyncset.done $0x0  }
0xa4: {  	s25 =	simm.s32 $0x1B8E;
	s24 =	sld [smem:$0x3FFE];
	[sflag:s23] =	ssyncadd.s32 $0xFFFFFFFF  }
0xa5: {  	s26 =	simm.s32 $execute0_lowered;
	[smem:$0x3FD2] =	sst s25  }
0xa6: {  	s5 =	sshll.u32 s26, $0x1;
	_ =	strace $0x80000046;
	[dreg:$0x1] =	wrdreg $0xFFFFFFFF  }
0xa7: {  	s28 =	simm.s32 $_size_execute0_lowered;
	s3 =	sadd.s32 s3, s5;
	[dreg:$0x0] =	wrdreg $0x0  }
0xa8: {  	s5 =	sshll.u32 s28, $0x1;
	[dreg:$0x2] =	wrdreg s3  }
0xa9: {  	[dreg:$0x3] =	wrdreg s5  }
0xaa: {  	[dreg:$0x4] =	wrdreg $0xC0  }
0xab: {  	_ =	task [dreg:s7], $0x5FFFF  }
0xac: {  	[dreg:$0x1] =	wrdreg $0xFFFFFFFF  }
0xad: {  	[dreg:$0x0] =	wrdreg $0x60  }
0xae: {  	[dreg:$0x2] =	wrdreg s2  }
0xaf: {  	[dreg:$0x3] =	wrdreg s24  }
0xb0: {  	[dreg:$0x4] =	wrdreg $0x9  }
0xb1: {  	_ =	task.clear_ibuf [dreg:s7], $0x5FFFF;
	_ =	strace $0x90000046  }
0xb2: {  	s29 =	simm.s32 $0x9;
	_ =	strace $0x80000048  }
0xb3: {  	_ =	swait.ge [sflag:s29], $0x1  }
0xb4: {  	[sflag:s29] =	ssyncadd.s32 $0xFFFFFFFF  }
0xb5: {  	_ =	strace $0x90000048  }
0xb6: {  	_ =	sfence  }
0xb7: {  	s30 =	sld [smem:$0x0];
	_ =	sdelay $0x2  }
0xb8: {  	s31 =	sshll.u32 s1, $0xD;
	s1 =	sshrl.u32 s1, $0x2  }
0xb9: {  	s3 =	sand.u32 $0x4000, s31;
	s1 =	sadd.s32 s1, s30  }
0xba: {  	s0 =	sor.u32 s3, s0;
	s1 =	sshll.u32 s1, $0x11  }
0xbb: {  	s0 =	sor.u32 s1, s0  }
0xbc: {  	s0 =	sadd.s32 $0x8F2B, s0  }
0xbd: {  	[sflag:s0] =	ssyncadd.remote.s32 $0x1  }
0xbe: {  	_ =	sfence.sel $0xFFFF  }
0xbf: {  	[dreg:$0x0] =	wrdreg $0xFFFFFFFF;
	(pc) =	sbr.abs _section_cstart, $3  }
0xc0: {  	[dreg:$0x1] =	wrdreg $0xFFFFFFFF  }
0xc1: {  	_ =	task.clear_ibuf [dreg:s7], $0x2FFFF;
	_ =	strace $0x9FFFFFFF  }
0xc2: {  	(tm) =	ssettm $0x7FFFFFFF  }
0xc3: {  	_ =	shalt  }
tec
execute0_lowered:
.L_overlay_start_1:
0x0: {  	(tag) =	ssettag $0x1  }
0x1: {  	s3 =	rddreg [dreg:$0x0]  }
0x2: {  	s5 =	rddreg [dreg:$0x1];
	s2 =	srdreg.scid  }
0x3: {  	s0 =	rddreg [dreg:$0x2];
	s1 =	stileid.u32;
	s10 =	sand.u32 $0x1, s2  }
0x4: {  	s2 =	simm.s32 $0x0;
	s4 =	sshll.u32 s1, $0x5;
	s6 =	sshll.u32 s10, $0x4  }
0x5: {  	[smem:$0x7FF] =	sst s2;
	s6 =	sor.u32 s6, s4  }
0x6: {  	_ =	strace $0x80000047;
	s4 =	sadd.s32 s3, s6;
	s3 =	simm.s32 $0x1  }
0x7: {  	[tilespmem:s2], [sflag:$0x1] =	stream.linear.gather [hbm4b:s4+s2], $0x80, $0x38;
	[tilespmem:$0x200] =	vst v63  }
0x8: {  	_ =	swait.ge [sflag:s3], $0x80  }
0x9: {  	s9 =	sadd.s32 s6, s5;
	[sflag:s3] =	ssyncset.done $0x0  }
0xa: {  	s6 =	simm.s32 $0x80;
	s5 =	sadd.s32 $0x800, s9;
	[sflag:s3] =	ssyncadd.s32 $0xFFFFFF80  }
0xb: {  	[tilespmem:s6], [sflag:$0x1] =	stream.linear.gather [hbm4b:s5+s2], $0x80, $0x38;
	[tilespmem:$0x200] =	vst v63  }
0xc: {  	_ =	swait.ge [sflag:s3], $0x80  }
0xd: {  	[sflag:s3] =	ssyncset.done $0x0  }
0xe: {  	s8 =	simm.s32 $0x100;
	s7 =	sadd.s32 $0xA00, s9;
	[sflag:s3] =	ssyncadd.s32 $0xFFFFFF80  }
0xf: {  	[tilespmem:s8], [sflag:$0x1] =	stream.linear.gather [hbm4b:s7+s2], $0x80, $0x38;
	[tilespmem:$0x200] =	vst v63  }
0x10: {  	_ =	swait.ge [sflag:s3], $0x80  }
0x11: {  	[sflag:s3] =	ssyncset.done $0x0  }
0x12: {  	[sflag:s3] =	ssyncadd.s32 $0xFFFFFF80  }
0x13: {  	v0 =	vld [tilespmem:$0xB0]  }
0x14: {  	v1 =	vld [tilespmem:$0x130]  }
0x15: {  	v2 =	vld [tilespmem:$0x80]  }
0x16: {  	v3 =	vld [tilespmem:$0x90]  }
0x17: {  	v4 =	vld [tilespmem:$0xA0]  }
0x18: {  	v5 =	vld [tilespmem:$0x120]  }
0x19: {  	v6 =	vld [tilespmem:$0x100]  }
0x1a: {  	v7 =	vld [tilespmem:$0x110]  }
0x1b: {  	v8 =	vld [tilespmem:$0x0]  }
0x1c: {  	v9 =	vld [tilespmem:$0x10]  }
0x1d: {  	v10 =	vld [tilespmem:$0x140]  }
0x1e: {  	v11 =	vld [tilespmem:$0x20];
	v2 =	vmul.f32 $3.125195240e-06, v2  }
0x1f: {  	v12 =	vld [tilespmem:$0xC0];
	v4 =	vmul.f32 $3.125195240e-06, v4;
	v3 =	vmul.f32 $3.125195240e-06, v3  }
0x20: {  	v13 =	vld [tilespmem:$0x150];
	v6 =	vmul.f32 $8.999968760e-01, v6;
	v7 =	vmul.f32 $8.999968760e-01, v7  }
0x21: {  	v50 =	vld [tilespmem:$0xD0];
	v1 =	vmul.f32 $8.999968760e-01, v1;
	v5 =	vmul.f32 $8.999968760e-01, v5;
	vm0 =	veq.s32 v8, $0x0  }
0x22: {  	v51 =	vld [tilespmem:$0x30];
	v0 =	vmul.f32 $3.125195240e-06, v0;
	v6 =	vsub.f32 $-1.362425800e+00, v6;
	v7 =	vsub.f32 $-1.362425800e+00, v7  }
0x23: {  	v53 =	vld [tilespmem:$0x160];
	vm1 =	veq.s32 v9, $0x0;
	v1 =	vsub.f32 $-1.362425800e+00, v1;
	v5 =	vsub.f32 $-1.362425800e+00, v5  }
0x24: {  	v54 =	vld [tilespmem:$0x40];
	v52 =	vmul.f32 $8.999968760e-01, v10;
	v2 =	vsub.f32 v6, v2;
	v3 =	vsub.f32 v7, v3  }
0x25: {  	v57 =	vld [tilespmem:$0xE0];
	v56 =	vmul.f32 $8.999968760e-01, v13;
	v12 =	vmul.f32 $3.125195240e-06, v12;
	v0 =	vsub.f32 v1, v0  }
0x26: {  	v58 =	vld [tilespmem:$0x50];
	v1 =	vsel vm0, $0x0, v2;
	v2 =	vsub.f32 v5, v4;
	v3 =	vsel vm1, $0x0, v3  }
0x27: {  	v55 =	vsub.f32 $-1.362425800e+00, v52;
	vm0 =	veq.s32 v11, $0x0;
	v1 =	vadd.f32 v3, v1;
	v3 =	vld [tilespmem:$0x170]  }
0x28: {  	s10 =	ssub.s32 $0x2, s10;
	v59 =	vld [tilespmem:$0xF0];
	v8 =	vmul.f32 $3.125195240e-06, v50;
	v9 =	vsub.f32 $-1.362425800e+00, v56;
	v2 =	vsel vm0, $0x0, v2  }
0x29: {  	s11 =	sshrl.u32 s10, $0x1;
	v5 =	vsub.f32 v55, v12;
	vm0 =	veq.s32 v51, $0x0;
	v1 =	vadd.f32 v2, v1  }
0x2a: {  	s10 =	ssub.s32 s10, s11;
	v61 =	vld [tilespmem:$0x60];
	v2 =	vmul.f32 $8.999968760e-01, v53;
	v0 =	vsel vm0, $0x0, v0;
	vm0 =	veq.s32 v54, $0x0  }
0x2b: {  	s11 =	smax.u32 s10, $0x1;
	v62 =	vld [tilespmem:$0x70];
	v60 =	vsub.f32 v9, v8;
	v5 =	vsel vm0, $0x0, v5;
	v0 =	vadd.f32 v0, v1  }
0x2c: {  	p0 =	sne.s32 s11, $0x1;
	v1 =	vsub.f32 $-1.362425800e+00, v2;
	v2 =	vmul.f32 $3.125195240e-06, v57;
	v3 =	vmul.f32 $8.999968760e-01, v3  }
.Ltmp0:
0x2d: {  	v63 =	vmul.f32 $3.125195240e-06, v59;
	vm0 =	veq.s32 v58, $0x0;
	v0 =	vadd.f32 v5, v0;
	(pc) =	sbr.rel @!p0 .LBB2_2-.Ltmp0, $4  }
0x2e: {  	v1 =	vsub.f32 v1, v2;
	v2 =	vsel vm0, $0x0, v60;
	v3 =	vsub.f32 $-1.362425800e+00, v3  }
0x2f: {  	vm0 =	veq.s32 v61, $0x0;
	v2 =	vadd.f32 v2, v0  }
0x30: {  	v1 =	vsel vm0, $0x0, v1;
	v0 =	vsub.f32 v3, v63  }
0x31: {  	s9 =	sadd.s32 $0xC00, s9;
	s10 =	simm.s32 $0x180;
	s11 =	sadd.s32 $0xFFFFFFFF, s11;
	vm0 =	veq.s32 v62, $0x0;
	v1 =	vadd.f32 v1, v2  }
.LBB2_1:
0x32: {  	p0 =	sne.s32 s11, $0x1;
	s11 =	sadd.s32 $0xFFFFFFFF, s11;
	v0 =	vsel vm0, $0x0, v0  }
0x33: {  	v0 =	vadd.f32 v0, v1;
	_ =	sdelay $0x1  }
0x34: {  	[tilespmem:$0x180] =	vst v0  }
0x35: {  	[hbm4b:s9+s2] =	stream.linear.scatter [tilespmem:s10], [sflag:$0x1], $0x80, $0x38;
	[tilespmem:$0x200] =	vst v63  }
0x36: {  	_ =	swait.ge [sflag:s3], $0x80  }
0x37: {  	[sflag:s3] =	ssyncset.done $0x0  }
0x38: {  	[sflag:s3] =	ssyncadd.s32 $0xFFFFFF80  }
0x39: {  	[tilespmem:s2], [sflag:$0x1] =	stream.linear.gather [hbm4b:s4+s2], $0x80, $0x38;
	[tilespmem:$0x200] =	vst v63  }
0x3a: {  	_ =	swait.ge [sflag:s3], $0x80  }
0x3b: {  	[sflag:s3] =	ssyncset.done $0x0  }
0x3c: {  	[sflag:s3] =	ssyncadd.s32 $0xFFFFFF80  }
0x3d: {  	[tilespmem:s6], [sflag:$0x1] =	stream.linear.gather [hbm4b:s5+s2], $0x80, $0x38;
	[tilespmem:$0x200] =	vst v63  }
0x3e: {  	_ =	swait.ge [sflag:s3], $0x80  }
0x3f: {  	[sflag:s3] =	ssyncset.done $0x0  }
0x40: {  	[sflag:s3] =	ssyncadd.s32 $0xFFFFFF80  }
0x41: {  	[tilespmem:s8], [sflag:$0x1] =	stream.linear.gather [hbm4b:s7+s2], $0x80, $0x38;
	[tilespmem:$0x200] =	vst v63  }
0x42: {  	_ =	swait.ge [sflag:s3], $0x80  }
0x43: {  	[sflag:s3] =	ssyncset.done $0x0  }
0x44: {  	[sflag:s3] =	ssyncadd.s32 $0xFFFFFF80  }
0x45: {  	v0 =	vld [tilespmem:$0xB0]  }
0x46: {  	v1 =	vld [tilespmem:$0x130]  }
0x47: {  	v2 =	vld [tilespmem:$0x80]  }
0x48: {  	v3 =	vld [tilespmem:$0x90]  }
0x49: {  	v4 =	vld [tilespmem:$0xA0]  }
0x4a: {  	v5 =	vld [tilespmem:$0x120]  }
0x4b: {  	v6 =	vld [tilespmem:$0x100]  }
0x4c: {  	v7 =	vld [tilespmem:$0x110]  }
0x4d: {  	v2 =	vmul.f32 $3.125195240e-06, v2;
	v8 =	vld [tilespmem:$0x0]  }
0x4e: {  	v9 =	vld [tilespmem:$0x10];
	v4 =	vmul.f32 $3.125195240e-06, v4  }
0x4f: {  	v3 =	vmul.f32 $3.125195240e-06, v3;
	v10 =	vld [tilespmem:$0x140]  }
0x50: {  	v1 =	vmul.f32 $8.999968760e-01, v1;
	v6 =	vmul.f32 $8.999968760e-01, v6;
	v11 =	vld [tilespmem:$0x20]  }
0x51: {  	v5 =	vmul.f32 $8.999968760e-01, v5;
	v7 =	vmul.f32 $8.999968760e-01, v7;
	v12 =	vld [tilespmem:$0xC0]  }
0x52: {  	v0 =	vmul.f32 $3.125195240e-06, v0;
	v1 =	vsub.f32 $-1.362425800e+00, v1;
	v6 =	vsub.f32 $-1.362425800e+00, v6;
	v13 =	vld [tilespmem:$0x150]  }
0x53: {  	vm0 =	veq.s32 v8, $0x0;
	vm1 =	veq.s32 v9, $0x0;
	v7 =	vsub.f32 $-1.362425800e+00, v7;
	v8 =	vld [tilespmem:$0xD0]  }
0x54: {  	v5 =	vsub.f32 $-1.362425800e+00, v5;
	v2 =	vsub.f32 v6, v2;
	v6 =	vld [tilespmem:$0x30];
	v9 =	vmul.f32 $8.999968760e-01, v10  }
0x55: {  	v0 =	vsub.f32 v1, v0;
	v3 =	vsub.f32 v7, v3;
	v1 =	vld [tilespmem:$0x160]  }
0x56: {  	v4 =	vsub.f32 v5, v4;
	v2 =	vsel vm0, $0x0, v2;
	v5 =	vld [tilespmem:$0x40];
	v7 =	vsub.f32 $-1.362425800e+00, v9  }
0x57: {  	v9 =	vmul.f32 $3.125195240e-06, v12;
	v3 =	vsel vm1, $0x0, v3;
	v10 =	vmul.f32 $8.999968760e-01, v13;
	v12 =	vld [tilespmem:$0xE0]  }
0x58: {  	vm0 =	veq.s32 v11, $0x0;
	v2 =	vadd.f32 v3, v2;
	v3 =	vmul.f32 $3.125195240e-06, v8;
	v8 =	vld [tilespmem:$0x170]  }
0x59: {  	v4 =	vsel vm0, $0x0, v4;
	v7 =	vsub.f32 v7, v9;
	v9 =	vld [tilespmem:$0x50];
	v10 =	vsub.f32 $-1.362425800e+00, v10  }
0x5a: {  	vm0 =	veq.s32 v6, $0x0;
	v2 =	vadd.f32 v4, v2;
	v1 =	vmul.f32 $8.999968760e-01, v1;
	v4 =	vld [tilespmem:$0xF0]  }
0x5b: {  	v0 =	vsel vm0, $0x0, v0;
	vm0 =	veq.s32 v5, $0x0;
	v3 =	vsub.f32 v10, v3;
	v5 =	vld [tilespmem:$0x60]  }
0x5c: {  	v0 =	vadd.f32 v0, v2;
	v1 =	vsub.f32 $-1.362425800e+00, v1;
	v2 =	vmul.f32 $3.125195240e-06, v12;
	v6 =	vld [tilespmem:$0x70]  }
0x5d: {  	v7 =	vsel vm0, $0x0, v7;
	v8 =	vmul.f32 $8.999968760e-01, v8  }
.Ltmp1:
0x5e: {  	v0 =	vadd.f32 v7, v0;
	vm0 =	veq.s32 v9, $0x0;
	v1 =	vsub.f32 v1, v2;
	(pc) =	sbr.rel @p0 .LBB2_1-.Ltmp1, $4  }
0x5f: {  	v2 =	vsel vm0, $0x0, v3;
	v3 =	vsub.f32 $-1.362425800e+00, v8;
	v4 =	vmul.f32 $3.125195240e-06, v4  }
0x60: {  	v2 =	vadd.f32 v2, v0;
	vm0 =	veq.s32 v5, $0x0  }
0x61: {  	v1 =	vsel vm0, $0x0, v1;
	v0 =	vsub.f32 v3, v4  }
0x62: {  	vm0 =	veq.s32 v6, $0x0;
	v1 =	vadd.f32 v1, v2  }
.LBB2_2:
0x63: {  	v0 =	vsel vm0, $0x0, v0  }
0x64: {  	v0 =	vadd.f32 v0, v1;
	_ =	sdelay $0x1  }
0x65: {  	[tilespmem:$0x180] =	vst v0  }
0x66: {  	[hbm4b:s9+s2] =	stream.linear.scatter [tilespmem:s10], [sflag:$0x1], $0x80, $0x38;
	[tilespmem:$0x200] =	vst v63  }
0x67: {  	_ =	swait.ge [sflag:s3], $0x80  }
0x68: {  	[sflag:s3] =	ssyncset.done $0x0  }
0x69: {  	[sflag:s3] =	ssyncadd.s32 $0xFFFFFF80  }
0x6a: {  	_ =	sfence.sel $0x180000  }
0x6b: {  	[bflag:$0x0] =	sbarrier.arrive $0xFFFF  }
0x6c: {  	p0 =	sne.s32 s1, $0x0;
	_ =	strace $0x90000047  }
0x6d: {  	s0 =	sadd.s32 @!p0 $0x100000, s0;
	[bflag:$0x2] =	sbarrier.arrive $0xFFFF  }
0x6e: {  	[sflag:s0] =	ssyncadd.tile.s32 @!p0 $0x1;
	_ =	shalt  }
.Lfunc_end2:
_tile_overlayer_lowered:
.L_overlay_start_2:
0x6f: {  	(tag) =	ssettag $0x2  }
0x70: {  	s0 =	rddreg [dreg:$0x0];
	s2 =	stileid.u32  }
0x71: {  	s1 =	rddreg [dreg:$0x1];
	p0 =	sne.s32 s2, $0x0  }
0x72: {  	s3 =	rddreg [dreg:$0x2];
	[bflag:$0x3] =	sbarrier.arrive $0xFFFF;
	s2 =	simm.s32 @!p0 $0x1C01  }
0x73: {  	[timem:s3], [sflag:s2] =	dma.local @!p0 [hbm:s0], s1  }
0x74: {  	s0 =	simm.s32 @!p0 $0x1  }
0x75: {  	_ =	swait.ge @!p0 [sflag:s0], s1  }
0x76: {  	s1 =	ssub.s32 @!p0 $0x0, s1;
	[sflag:s0] =	ssyncset.done @!p0 $0x0  }
0x77: {  	[sflag:s0] =	ssyncadd.s32 @!p0 s1  }
0x78: {  	[bflag:$0x3] =	sbarrier.arrive $0xFFFF  }
0x79: {  	_ =	shalt  }

</sc_bundles>
